<compile_context>
chip_gen: v7x
topology: tpu7x:2x2x1
jax: 0.10.2.dev20260603
libtpu: 0.0.44.dev20260713+nightly
codegen_flags: <defaults>
</compile_context>

<pallas_src>
import functools

import jax
import jax.numpy as jnp
from jax import lax
from jax.experimental import pallas as pl
from jax.experimental.pallas import tpu as pltpu
from jax.experimental.pallas import tpu_sc as plsc


def _argmin_body(z_ref, w_ref, b_ref, e_ref, ze_ref, ind_ref,
                 ebd_ref, e2_ref, *, kb, hb):
    first = (pl.program_id(0) == 0) & (pl.program_id(1) == 0)

    @pl.when(first)
    def _():
        e = e_ref[...]
        ebd_ref[...] = (2.0 * e).astype(jnp.bfloat16)
        e2_ref[...] = jnp.sum(e * e, axis=1, keepdims=True)

    zb = z_ref[0]
    w = w_ref[...]
    ze = lax.dot_general(w, zb, (((1,), (0,)), ((), ())),
                         preferred_element_type=jnp.float32) + b_ref[...]
    r = ze.shape[1]
    k_total = e_ref.shape[0]
    f2 = jnp.sum(ze * ze, axis=0, keepdims=True)
    ze_bf = ze.astype(jnp.bfloat16)
    iota = lax.broadcasted_iota(jnp.int32, (kb, r), 0)
    ns = hb // kb

    def inner(k, carry):
        lv, li = carry
        eb = ebd_ref[pl.ds(k * kb, kb), :]
        s2 = lax.dot_general(eb, ze_bf, (((1,), (0,)), ((), ())),
                             preferred_element_type=jnp.float32)
        e2 = e2_ref[pl.ds(k * kb, kb), :]
        dist = (f2 - s2) + e2
        m = jnp.min(dist, axis=0, keepdims=True)
        ci = jnp.min(jnp.where(dist == m, iota, jnp.int32(2**30)),
                     axis=0, keepdims=True) + k * kb
        upd = (m < lv) | ((m == lv) & (ci < li))
        return jnp.where(upd, m, lv), jnp.where(upd, ci, li)

    def outer(h, carry):
        bv, bi = carry
        lv0 = jnp.full((1, r), jnp.inf, jnp.float32)
        li0 = jnp.full((1, r), jnp.int32(2**30))
        lv, li = lax.fori_loop(h * ns, (h + 1) * ns, inner, (lv0, li0))
        take = lv < bv
        lvq = lv.astype(jnp.bfloat16).astype(jnp.float32)
        return jnp.where(take, lvq, bv), jnp.where(take, li, bi)

    bv0 = jnp.full((1, r), jnp.inf, jnp.float32)
    bi0 = jnp.zeros((1, r), jnp.int32)
    _, bi = lax.fori_loop(0, k_total // hb, outer, (bv0, bi0))
    ze_ref[0] = ze
    ind_ref[0] = bi


def _combine_body(ze_ref, zq_ref, out_ref, diff_ref, acc_ref, *, n_total, n_cells):
    ze = ze_ref[0]
    zq = zq_ref[0]
    delta = zq - ze
    out_ref[0] = ze + delta
    part = jnp.sum(delta * delta)
    cell = pl.program_id(0) * pl.num_programs(1) + pl.program_id(1)

    @pl.when(cell == 0)
    def _():
        acc_ref[0] = part

    @pl.when(cell != 0)
    def _():
        acc_ref[0] += part

    @pl.when(cell == n_cells - 1)
    def _():
        m = acc_ref[0] / n_total
        diff_ref[...] = jnp.full((1, 1), (0.25 * m + m) * 10.0, jnp.float32)


def _sc_gather(table, idx):
    n = idx.shape[0]
    d = table.shape[1]
    info = plsc.get_sparse_core_info()
    nw = info.num_cores * info.num_subcores
    b_per_w = n // nw
    chunk = 128
    n_chunks = b_per_w // chunk
    mesh = plsc.VectorSubcoreMesh(core_axis_name="c", subcore_axis_name="s")

    @functools.partial(
        pl.kernel, mesh=mesh,
        compiler_params=pltpu.CompilerParams(use_tc_tiling_on_sc=False),
        out_type=jax.ShapeDtypeStruct((n, d), jnp.float32),
        scratch_types=[
            pltpu.VMEM((chunk,), jnp.int32),
            pltpu.VMEM((chunk, d), jnp.float32),
            pltpu.SemaphoreType.DMA,
        ],
    )
    def gather_k(table_hbm, idx_hbm, out_hbm, idx_v, rows_v, sem):
        wid = lax.axis_index("s") * info.num_cores + lax.axis_index("c")
        base = wid * b_per_w

        def step(i, _):
            off = base + i * chunk
            pltpu.sync_copy(idx_hbm.at[pl.ds(off, chunk)], idx_v)
            pltpu.async_copy(table_hbm.at[idx_v], rows_v, sem).wait()
            pltpu.sync_copy(rows_v, out_hbm.at[pl.ds(off, chunk)])
            return 0

        lax.fori_loop(0, n_chunks, step, 0)

    return gather_k(table, idx)


def kernel(z, W_proj, b_proj, embed_w):
    B, C, H, W = z.shape
    D = W_proj.shape[0]
    K = embed_w.shape[0]
    HW = H * W
    R = 1024
    KB = 4096
    HB = 4096

    zf = z.reshape(B, C, HW)
    bp = b_proj.reshape(D, 1)

    ze_t, ind3 = pl.pallas_call(
        functools.partial(_argmin_body, kb=KB, hb=HB),
        grid=(B, HW // R),
        in_specs=[
            pl.BlockSpec((1, C, R), lambda b, j: (b, 0, j)),
            pl.BlockSpec((D, C), lambda b, j: (0, 0)),
            pl.BlockSpec((D, 1), lambda b, j: (0, 0)),
            pl.BlockSpec((K, D), lambda b, j: (0, 0)),
        ],
        out_specs=[
            pl.BlockSpec((1, D, R), lambda b, j: (b, 0, j)),
            pl.BlockSpec((1, 1, R), lambda b, j: (b, 0, j)),
        ],
        out_shape=[
            jax.ShapeDtypeStruct((B, D, HW), jnp.float32),
            jax.ShapeDtypeStruct((B, 1, HW), jnp.int32),
        ],
        scratch_shapes=[
            pltpu.VMEM((K, D), jnp.bfloat16),
            pltpu.VMEM((K, 1), jnp.float32),
        ],
    )(zf, W_proj, bp, embed_w)

    ind_flat = ind3.reshape(B * HW)
    zq_rows = _sc_gather(embed_w, ind_flat)
    zq_t = zq_rows.reshape(B, HW, D).transpose(0, 2, 1)

    n_cells = B * (HW // R)
    zq_st, diffp = pl.pallas_call(
        functools.partial(_combine_body, n_total=float(B * HW * D),
                          n_cells=n_cells),
        grid=(B, HW // R),
        in_specs=[
            pl.BlockSpec((1, D, R), lambda b, j: (b, 0, j)),
            pl.BlockSpec((1, D, R), lambda b, j: (b, 0, j)),
        ],
        out_specs=[
            pl.BlockSpec((1, D, R), lambda b, j: (b, 0, j)),
            pl.BlockSpec((1, 1), lambda b, j: (0, 0)),
        ],
        out_shape=[
            jax.ShapeDtypeStruct((B, D, HW), jnp.float32),
            jax.ShapeDtypeStruct((1, 1), jnp.float32),
        ],
        scratch_shapes=[pltpu.SMEM((1,), jnp.float32)],
    )(ze_t, zq_t)

    z_q = zq_st.reshape(B, D, H, W)
    diff = diffp.reshape(())
    ind = ind3.reshape(B, H, W)
    return z_q, diff, ind

# --- scband reference (transcript-rebuilt; emitter-appended) ---
"""Pipeline reference for scband-vqvaequantize-18064632447405 (READ-ONLY COPY).

The authoritative reference and input builder live on the scoring server;
editing this copy changes nothing except your own understanding.
"""

import jax, jax.numpy as jnp
import numpy as np


def setup_inputs(seed: int = 0) -> dict:
    key = jax.random.key(seed)
    k1, k2, k3, k4 = jax.random.split(key, 4)
    z = jax.random.normal(k1, (16, 96, 32, 32), dtype=jnp.float32)
    # proj: 1x1 Conv2d(num_hiddens=96 -> embedding_dim=32), weight [D, C], bias [D]
    W_proj = jax.random.normal(k2, (32, 96), dtype=jnp.float32) * (1.0 / np.sqrt(96))
    b_proj = jax.random.normal(k3, (32,), dtype=jnp.float32) * 0.01
    # codebook: nn.Embedding(n_embed=8192, embedding_dim=32)
    embed_w = jax.random.normal(k4, (8192, 32), dtype=jnp.float32)
    return {"z": z, "W_proj": W_proj, "b_proj": b_proj, "embed_w": embed_w}


def reference(z, W_proj, b_proj, embed_w):
    B, C, H, W = z.shape
    D = W_proj.shape[0]
    # 1x1 conv == per-pixel linear; permute to channels-last (B,H,W,D)
    z_e = jnp.einsum('bchw,dc->bhwd', z, W_proj) + b_proj
    flatten = z_e.reshape(-1, D)
    dist = (jnp.sum(flatten ** 2, axis=1, keepdims=True)
            - 2.0 * flatten @ embed_w.T
            + jnp.sum(embed_w ** 2, axis=1)[None, :])
    ind = jnp.argmax(-dist, axis=1)
    ind = ind.reshape(B, H, W)
    z_q = jnp.take(embed_w, ind, axis=0)  # embedding lookup (B,H,W,D)
    commitment_cost = 0.25
    diff = (commitment_cost * jnp.mean((jax.lax.stop_gradient(z_q) - z_e) ** 2)
            + jnp.mean((z_q - jax.lax.stop_gradient(z_e)) ** 2))
    diff = diff * 10.0
    z_q = z_e + jax.lax.stop_gradient(z_q - z_e)  # straight-through
    z_q = jnp.transpose(z_q, (0, 3, 1, 2))
    return z_q, diff, ind

if __name__ == "__main__":
    import jax
    _d = setup_inputs()
    print(jax.jit(kernel)(*tuple(_d.values())))

</pallas_src>

<mosaic_0001>
#map = affine_map<(d0, d1) -> (0, 0)>
#map1 = affine_map<(d0, d1) -> (0)>
module attributes {stable_mosaic.version = 14 : i64} {
  func.func @gather_k(%arg0: i32, %arg1: i32, %arg2: memref<8192x32xf32, #tpu.memory_space<hbm>>, %arg3: memref<16384xi32, #tpu.memory_space<hbm>>, %arg4: memref<16384x32xf32, #tpu.memory_space<hbm>>, %arg5: memref<128xi32, #tpu.memory_space<vmem>>, %arg6: memref<128x32xf32, #tpu.memory_space<vmem>>, %arg7: memref<!tpu.dma_semaphore, #tpu.memory_space<semaphore_mem>>) attributes {dimension_semantics = [#tpu.dimension_semantics<core_parallel>, #tpu.dimension_semantics<subcore_parallel>], iteration_bounds = array<i64: 2, 16>, scalar_prefetch = 0 : i64, scratch_operands = 3 : i64, tpu.core_type = #tpu.core_type<sc_vector_subcore>, window_params = [{transform_indices = #map}, {transform_indices = #map1}, {transform_indices = #map}]} {
    %mul3A = arith.constant 2 : i32
    %mul3A_0 = arith.muli %arg1, %mul3A : i32
    %add3A = arith.addi %mul3A_0, %arg0 : i32
    %mul3A_1 = arith.constant 512 : i32
    %mul3A_2 = arith.muli %add3A, %mul3A_1 : i32
    %scan3A = arith.constant 0 : i32
    %scan3A_3 = arith.constant 0 : i32
    %scan3A_4 = arith.constant 4 : i32
    %scan3A_5 = arith.addi %scan3A_3, %scan3A_4 : i32
    %scan3A_6 = arith.constant 1 : i32
    %scan3A_7 = scf.for %scan3A_9 = %scan3A_3 to %scan3A_5 step %scan3A_6 iter_args(%scan3A_10 = %scan3A) -> (i32)  : i32 {
      %mul3A_11 = arith.constant 128 : i32
      %mul3A_12 = arith.muli %scan3A_9, %mul3A_11 : i32
      %add3A_13 = arith.addi %mul3A_2, %mul3A_12 : i32
      "tpu.region"() ({
        %run_scoped3A = tpu.sem_alloc : memref<!tpu.dma_semaphore, #tpu.memory_space<semaphore_mem>>
        %dma_start3A_19 = tpu.memref_slice %arg3[%add3A_13] : memref<16384xi32, #tpu.memory_space<hbm>> -> memref<128xi32, #tpu.memory_space<hbm>>
        %dma_start3A_20 = tpu.memref_slice %arg3[%add3A_13] : memref<16384xi32, #tpu.memory_space<hbm>> -> memref<128xi32, #tpu.memory_space<hbm>>
        tpu.enqueue_dma source(%dma_start3A_20 : memref<128xi32, #tpu.memory_space<hbm>>) target(%arg5 : memref<128xi32, #tpu.memory_space<vmem>>) target_semaphore(%run_scoped3A : memref<!tpu.dma_semaphore, #tpu.memory_space<semaphore_mem>>)
        %dma_wait3A_21 = tpu.memref_slice %arg3[%add3A_13] : memref<16384xi32, #tpu.memory_space<hbm>> -> memref<128xi32, #tpu.memory_space<hbm>>
        %dma_wait3A_22 = tpu.memref_slice %arg3[%add3A_13] : memref<16384xi32, #tpu.memory_space<hbm>> -> memref<128xi32, #tpu.memory_space<hbm>>
        tpu.wait_dma2 semaphore(%run_scoped3A : memref<!tpu.dma_semaphore, #tpu.memory_space<semaphore_mem>>) src(%dma_wait3A_22 : memref<128xi32, #tpu.memory_space<hbm>>) dst(%arg5 : memref<128xi32, #tpu.memory_space<vmem>>)
        tpu.yield
      }) : () -> ()
      %dma_start3A = arith.constant 0 : i32
      %dma_start3A_14 = arith.constant 0 : i32
      %dma_start3A_15 = tpu.memref_slice %arg2[%dma_start3A, %dma_start3A_14] : memref<8192x32xf32, #tpu.memory_space<hbm>> -> memref<8192x32xf32, #tpu.memory_space<hbm>>
      tpu.enqueue_indirect_dma source(%dma_start3A_15 : memref<8192x32xf32, #tpu.memory_space<hbm>>) target(%arg6 : memref<128x32xf32, #tpu.memory_space<vmem>>) offsets(%arg5 : memref<128xi32, #tpu.memory_space<vmem>>) semaphore(%arg7 : memref<!tpu.dma_semaphore, #tpu.memory_space<semaphore_mem>>)
      %dma_wait3A = arith.constant 0 : i32
      %dma_wait3A_16 = arith.constant 0 : i32
      %dma_wait3A_17 = tpu.memref_slice %arg2[%dma_wait3A, %dma_wait3A_16] : memref<8192x32xf32, #tpu.memory_space<hbm>> -> memref<8192x32xf32, #tpu.memory_space<hbm>>
      tpu.wait_indirect_dma semaphore(%arg7 : memref<!tpu.dma_semaphore, #tpu.memory_space<semaphore_mem>>) src(%dma_wait3A_17 : memref<8192x32xf32, #tpu.memory_space<hbm>>) dst(%arg6 : memref<128x32xf32, #tpu.memory_space<vmem>>)
      "tpu.region"() ({
        %run_scoped3A = tpu.sem_alloc : memref<!tpu.dma_semaphore, #tpu.memory_space<semaphore_mem>>
        %dma_start3A_19 = arith.constant 0 : i32
        %dma_start3A_20 = tpu.memref_slice %arg4[%add3A_13, %dma_start3A_19] : memref<16384x32xf32, #tpu.memory_space<hbm>> -> memref<128x32xf32, #tpu.memory_space<hbm>>
        %dma_start3A_21 = arith.constant 0 : i32
        %dma_start3A_22 = tpu.memref_slice %arg4[%add3A_13, %dma_start3A_21] : memref<16384x32xf32, #tpu.memory_space<hbm>> -> memref<128x32xf32, #tpu.memory_space<hbm>>
        tpu.enqueue_dma source(%arg6 : memref<128x32xf32, #tpu.memory_space<vmem>>) target(%dma_start3A_22 : memref<128x32xf32, #tpu.memory_space<hbm>>) target_semaphore(%run_scoped3A : memref<!tpu.dma_semaphore, #tpu.memory_space<semaphore_mem>>)
        %dma_wait3A_23 = arith.constant 0 : i32
        %dma_wait3A_24 = tpu.memref_slice %arg4[%add3A_13, %dma_wait3A_23] : memref<16384x32xf32, #tpu.memory_space<hbm>> -> memref<128x32xf32, #tpu.memory_space<hbm>>
        %dma_wait3A_25 = arith.constant 0 : i32
        %dma_wait3A_26 = tpu.memref_slice %arg4[%add3A_13, %dma_wait3A_25] : memref<16384x32xf32, #tpu.memory_space<hbm>> -> memref<128x32xf32, #tpu.memory_space<hbm>>
        tpu.wait_dma2 semaphore(%run_scoped3A : memref<!tpu.dma_semaphore, #tpu.memory_space<semaphore_mem>>) src(%arg6 : memref<128x32xf32, #tpu.memory_space<vmem>>) dst(%dma_wait3A_26 : memref<128x32xf32, #tpu.memory_space<hbm>>)
        tpu.yield
      }) : () -> ()
      %scan3A_18 = arith.constant 0 : i32
      scf.yield %scan3A_18 : i32
    }
    %scan3A_8 = arith.constant 4 : i32
    return
  }
}

module attributes {stable_mosaic.version = 14 : i64} {
  func.func @_argmin_body(%arg0: i32, %arg1: i32, %arg2: memref<1x96x1024xf32, #tpu.memory_space<vmem>>, %arg3: memref<32x96xf32, #tpu.memory_space<vmem>>, %arg4: memref<32x1xf32, #tpu.memory_space<vmem>>, %arg5: memref<8192x32xf32, #tpu.memory_space<vmem>>, %arg6: memref<1x32x1024xf32, #tpu.memory_space<vmem>>, %arg7: memref<1x1x1024xi32, #tpu.memory_space<vmem>>, %arg8: memref<8192x32xbf16, #tpu.memory_space<vmem>>, %arg9: memref<8192x1xf32, #tpu.memory_space<vmem>>) attributes {dimension_semantics = [#tpu.dimension_semantics<arbitrary>, #tpu.dimension_semantics<arbitrary>], iteration_bounds = array<i64: 16, 1>, scalar_prefetch = 0 : i64, scratch_operands = 2 : i64, tpu.core_type = #tpu.core_type<tc>, window_params = [{transform_indices = @transform_0, window_bounds = array<i64: 1, 96, 1024>}, {pipeline_mode = #tpu.pipeline_mode<synchronous>, transform_indices = @transform_1, window_bounds = array<i64: 32, 96>}, {pipeline_mode = #tpu.pipeline_mode<synchronous>, transform_indices = @transform_2, window_bounds = array<i64: 32, 1>}, {pipeline_mode = #tpu.pipeline_mode<synchronous>, transform_indices = @transform_3, window_bounds = array<i64: 8192, 32>}, {transform_indices = @transform_4, window_bounds = array<i64: 1, 32, 1024>}, {transform_indices = @transform_5, window_bounds = array<i64: 1, 1, 1024>}]} {
    %eq3A = arith.constant 0 : i32
    %eq3A_0 = arith.cmpi eq, %arg0, %eq3A : i32
    %eq3A_1 = arith.constant 0 : i32
    %eq3A_2 = arith.cmpi eq, %arg1, %eq3A_1 : i32
    %and3A = arith.andi %eq3A_0, %eq3A_2 : i1
    %convert_element_type3A = arith.extui %and3A : i1 to i32
    %cond3A = arith.constant 0 : i32
    %cond3A_3 = arith.cmpi ne, %convert_element_type3A, %cond3A : i32
    scf.if %cond3A_3 {
      %get3A_38 = arith.constant 0 : index
      %get3A_39 = arith.constant 0 : index
      %get3A_40 = vector.load %arg5[%get3A_38, %get3A_39] : memref<8192x32xf32, #tpu.memory_space<vmem>>, vector<8192x32xf32>
      %mul3A_41 = arith.constant 2.000000e+00 : f32
      %mul3A_42 = vector.broadcast %mul3A_41 : f32 to vector<8192x32xf32>
      %mul3A_43 = arith.mulf %mul3A_42, %get3A_40 : vector<8192x32xf32>
      %convert_element_type3A_44 = arith.truncf %mul3A_43 : vector<8192x32xf32> to vector<8192x32xbf16>
      %swap3A_45 = arith.constant 0 : index
      %swap3A_46 = arith.constant 0 : index
      %swap3A_47 = vector.load %arg8[%swap3A_45, %swap3A_46] : memref<8192x32xbf16, #tpu.memory_space<vmem>>, vector<8192x32xbf16>
      tpu.vector_store %arg8[%swap3A_45, %swap3A_46], %convert_element_type3A_44 {strides = array<i32>} : memref<8192x32xbf16, #tpu.memory_space<vmem>>, vector<8192x32xbf16>,
      %mul3A_48 = arith.mulf %get3A_40, %get3A_40 : vector<8192x32xf32>
      %reduce_sum3A_49 = arith.constant dense<0.000000e+00> : vector<8192xf32>
      %reduce_sum3A_50 = vector.multi_reduction <add>, %mul3A_48, %reduce_sum3A_49 [1] : vector<8192x32xf32> to vector<8192xf32>
      %broadcast_in_dim3A_51 = vector.shape_cast %reduce_sum3A_50 : vector<8192xf32> to vector<8192x1xf32>
      %swap3A_52 = arith.constant 0 : index
      %swap3A_53 = arith.constant 0 : index
      %swap3A_54 = vector.load %arg9[%swap3A_52, %swap3A_53] : memref<8192x1xf32, #tpu.memory_space<vmem>>, vector<8192x1xf32>
      tpu.vector_store %arg9[%swap3A_52, %swap3A_53], %broadcast_in_dim3A_51 {strides = array<i32>} : memref<8192x1xf32, #tpu.memory_space<vmem>>, vector<8192x1xf32>,
    } else {
    }
    %get3A = arith.constant 0 : index
    %get3A_4 = arith.constant 0 : index
    %get3A_5 = arith.constant 0 : index
    %get3A_6 = vector.load %arg2[%get3A, %get3A_4, %get3A_5] : memref<1x96x1024xf32, #tpu.memory_space<vmem>>, vector<1x96x1024xf32>
    %get3A_7 = vector.shape_cast %get3A_6 : vector<1x96x1024xf32> to vector<96x1024xf32>
    %get3A_8 = arith.constant 0 : index
    %get3A_9 = arith.constant 0 : index
    %get3A_10 = vector.load %arg3[%get3A_8, %get3A_9] : memref<32x96xf32, #tpu.memory_space<vmem>>, vector<32x96xf32>
    %dot_general3A = arith.constant dense<0.000000e+00> : vector<32x1024xf32>
    %dot_general3A_11 = tpu.matmul %get3A_10, %get3A_7, %dot_general3A {dimension_numbers = #tpu.dot_dimension_numbers<[1], [0], [0], [1], [0, 0, 1, 1], [], []>, transpose_lhs_hint = false} : vector<32x96xf32>, vector<96x1024xf32>, vector<32x1024xf32> -> vector<32x1024xf32>
    %get3A_12 = arith.constant 0 : index
    %get3A_13 = arith.constant 0 : index
    %get3A_14 = vector.load %arg4[%get3A_12, %get3A_13] : memref<32x1xf32, #tpu.memory_space<vmem>>, vector<32x1xf32>
    %add3A = vector.broadcast %get3A_14 : vector<32x1xf32> to vector<32x1024xf32>
    %add3A_15 = arith.addf %dot_general3A_11, %add3A : vector<32x1024xf32>
    %mul3A = arith.mulf %add3A_15, %add3A_15 : vector<32x1024xf32>
    %reduce_sum3A = arith.constant dense<0.000000e+00> : vector<1024xf32>
    %reduce_sum3A_16 = vector.multi_reduction <add>, %mul3A, %reduce_sum3A [0] : vector<32x1024xf32> to vector<1024xf32>
    %broadcast_in_dim3A = vector.shape_cast %reduce_sum3A_16 : vector<1024xf32> to vector<1x1024xf32>
    %convert_element_type3A_17 = arith.truncf %add3A_15 : vector<32x1024xf32> to vector<32x1024xbf16>
    %iota3A = tpu.iota {dimensions = array<i32: 0>} : vector<4096x1024xi32>
    %broadcast_in_dim3A_18 = arith.constant 0x7F800000 : f32
    %broadcast_in_dim3A_19 = vector.broadcast %broadcast_in_dim3A_18 : f32 to vector<1x1024xf32>
    %broadcast_in_dim3A_20 = arith.constant 0 : i32
    %broadcast_in_dim3A_21 = vector.broadcast %broadcast_in_dim3A_20 : i32 to vector<1x1024xi32>
    %scan3A = arith.constant 0 : i32
    %scan3A_22 = arith.constant 2 : i32
    %scan3A_23 = arith.addi %scan3A, %scan3A_22 : i32
    %scan3A_24 = arith.constant 1 : i32
    %scan3A_25:2 = scf.for %scan3A_38 = %scan3A to %scan3A_23 step %scan3A_24 iter_args(%scan3A_39 = %broadcast_in_dim3A_19, %scan3A_40 = %broadcast_in_dim3A_21) -> (vector<1x1024xf32>, vector<1x1024xi32>)  : i32 {
      %broadcast_in_dim3A_41 = arith.constant 0x7F800000 : f32
      %broadcast_in_dim3A_42 = vector.broadcast %broadcast_in_dim3A_41 : f32 to vector<1x1024xf32>
      %broadcast_in_dim3A_43 = arith.constant 1073741824 : i32
      %broadcast_in_dim3A_44 = vector.broadcast %broadcast_in_dim3A_43 : i32 to vector<1x1024xi32>
      %mul3A_45 = arith.constant 1 : i32
      %mul3A_46 = arith.muli %scan3A_38, %mul3A_45 : i32
      %add3A_47 = arith.constant 1 : i32
      %add3A_48 = arith.addi %scan3A_38, %add3A_47 : i32
      %mul3A_49 = arith.constant 1 : i32
      %mul3A_50 = arith.muli %add3A_48, %mul3A_49 : i32
      %while3A = arith.subi %mul3A_50, %mul3A_46 : i32
      %while3A_51 = arith.addi %mul3A_46, %while3A : i32
      %while3A_52 = arith.constant 1 : i32
      %while3A_53 = arith.divsi %while3A, %while3A_52 : i32
      %while3A_54 = arith.muli %while3A_53, %while3A_52 : i32
      %while3A_55 = arith.addi %mul3A_46, %while3A_54 : i32
      %while3A_56 = arith.constant 1 : i32
      %while3A_57:2 = scf.for %while3A_63 = %mul3A_46 to %while3A_55 step %while3A_56 iter_args(%while3A_64 = %broadcast_in_dim3A_42, %while3A_65 = %broadcast_in_dim3A_44) -> (vector<1x1024xf32>, vector<1x1024xi32>)  : i32 {
        %mul3A_66 = arith.constant 4096 : i32
        %mul3A_67 = arith.muli %while3A_63, %mul3A_66 : i32
        %get3A_68 = arith.index_cast %mul3A_67 : i32 to index
        %get3A_69 = arith.constant 0 : index
        %get3A_70 = vector.load %arg8[%get3A_68, %get3A_69] : memref<8192x32xbf16, #tpu.memory_space<vmem>>, vector<4096x32xbf16>
        %dot_general3A_71 = arith.constant dense<0.000000e+00> : vector<4096x1024xf32>
        %dot_general3A_72 = tpu.matmul %get3A_70, %convert_element_type3A_17, %dot_general3A_71 {dimension_numbers = #tpu.dot_dimension_numbers<[1], [0], [0], [1], [0, 0, 1, 1], [], []>, transpose_lhs_hint = false} : vector<4096x32xbf16>, vector<32x1024xbf16>, vector<4096x1024xf32> -> vector<4096x1024xf32>
        %mul3A_73 = arith.constant 4096 : i32
        %mul3A_74 = arith.muli %while3A_63, %mul3A_73 : i32
        %get3A_75 = arith.index_cast %mul3A_74 : i32 to index
        %get3A_76 = arith.constant 0 : index
        %get3A_77 = vector.load %arg9[%get3A_75, %get3A_76] : memref<8192x1xf32, #tpu.memory_space<vmem>>, vector<4096x1xf32>
        %sub3A = vector.broadcast %broadcast_in_dim3A : vector<1x1024xf32> to vector<4096x1024xf32>
        %sub3A_78 = arith.subf %sub3A, %dot_general3A_72 : vector<4096x1024xf32>
        %add3A_79 = vector.broadcast %get3A_77 : vector<4096x1xf32> to vector<4096x1024xf32>
        %add3A_80 = arith.addf %sub3A_78, %add3A_79 : vector<4096x1024xf32>
        %reduce_min3A = arith.constant dense<0x7F800000> : vector<1024xf32>
        %reduce_min3A_81 = vector.multi_reduction <minimumf>, %add3A_80, %reduce_min3A [0] : vector<4096x1024xf32> to vector<1024xf32>
        %broadcast_in_dim3A_82 = vector.shape_cast %reduce_min3A_81 : vector<1024xf32> to vector<1x1024xf32>
        %eq3A_83 = vector.broadcast %broadcast_in_dim3A_82 : vector<1x1024xf32> to vector<4096x1024xf32>
        %eq3A_84 = arith.cmpf oeq, %add3A_80, %eq3A_83 : vector<4096x1024xf32>
        %jit3A = arith.constant 1073741824 : i32
        %broadcast_in_dim3A_85 = vector.broadcast %jit3A : i32 to vector<4096x1024xi32>
        %select_n3A_86 = arith.select %eq3A_84, %iota3A, %broadcast_in_dim3A_85 : vector<4096x1024xi1>, vector<4096x1024xi32>
        %reduce_min3A_87 = arith.constant dense<2147483647> : vector<1024xi32>
        %reduce_min3A_88 = vector.multi_reduction <minsi>, %select_n3A_86, %reduce_min3A_87 [0] : vector<4096x1024xi32> to vector<1024xi32>
        %broadcast_in_dim3A_89 = vector.shape_cast %reduce_min3A_88 : vector<1024xi32> to vector<1x1024xi32>
        %mul3A_90 = arith.constant 4096 : i32
        %mul3A_91 = arith.muli %while3A_63, %mul3A_90 : i32
        %add3A_92 = vector.broadcast %mul3A_91 : i32 to vector<1x1024xi32>
        %add3A_93 = arith.addi %broadcast_in_dim3A_89, %add3A_92 : vector<1x1024xi32>
        %lt3A_94 = arith.cmpf olt, %broadcast_in_dim3A_82, %while3A_64 : vector<1x1024xf32>
        %eq3A_95 = arith.cmpf oeq, %broadcast_in_dim3A_82, %while3A_64 : vector<1x1024xf32>
        %lt3A_96 = arith.cmpi slt, %add3A_93, %while3A_65 : vector<1x1024xi32>
        %and3A_97 = arith.andi %eq3A_95, %lt3A_96 : vector<1x1024xi1>
        %or3A = arith.ori %lt3A_94, %and3A_97 : vector<1x1024xi1>
        %select_n3A_98 = arith.select %or3A, %broadcast_in_dim3A_82, %while3A_64 : vector<1x1024xi1>, vector<1x1024xf32>
        %select_n3A_99 = arith.select %or3A, %add3A_93, %while3A_65 : vector<1x1024xi1>, vector<1x1024xi32>
        scf.yield %select_n3A_98, %select_n3A_99 : vector<1x1024xf32>, vector<1x1024xi32>
      }
      %while3A_58 = arith.constant 1 : i32
      %while3A_59:2 = scf.for %while3A_63 = %while3A_55 to %while3A_51 step %while3A_58 iter_args(%while3A_64 = %while3A_57#0, %while3A_65 = %while3A_57#1) -> (vector<1x1024xf32>, vector<1x1024xi32>)  : i32 {
        %mul3A_66 = arith.constant 4096 : i32
        %mul3A_67 = arith.muli %while3A_63, %mul3A_66 : i32
        %get3A_68 = arith.index_cast %mul3A_67 : i32 to index
        %get3A_69 = arith.constant 0 : index
        %get3A_70 = vector.load %arg8[%get3A_68, %get3A_69] : memref<8192x32xbf16, #tpu.memory_space<vmem>>, vector<4096x32xbf16>
        %dot_general3A_71 = arith.constant dense<0.000000e+00> : vector<4096x1024xf32>
        %dot_general3A_72 = tpu.matmul %get3A_70, %convert_element_type3A_17, %dot_general3A_71 {dimension_numbers = #tpu.dot_dimension_numbers<[1], [0], [0], [1], [0, 0, 1, 1], [], []>, transpose_lhs_hint = false} : vector<4096x32xbf16>, vector<32x1024xbf16>, vector<4096x1024xf32> -> vector<4096x1024xf32>
        %mul3A_73 = arith.constant 4096 : i32
        %mul3A_74 = arith.muli %while3A_63, %mul3A_73 : i32
        %get3A_75 = arith.index_cast %mul3A_74 : i32 to index
        %get3A_76 = arith.constant 0 : index
        %get3A_77 = vector.load %arg9[%get3A_75, %get3A_76] : memref<8192x1xf32, #tpu.memory_space<vmem>>, vector<4096x1xf32>
        %sub3A = vector.broadcast %broadcast_in_dim3A : vector<1x1024xf32> to vector<4096x1024xf32>
        %sub3A_78 = arith.subf %sub3A, %dot_general3A_72 : vector<4096x1024xf32>
        %add3A_79 = vector.broadcast %get3A_77 : vector<4096x1xf32> to vector<4096x1024xf32>
        %add3A_80 = arith.addf %sub3A_78, %add3A_79 : vector<4096x1024xf32>
        %reduce_min3A = arith.constant dense<0x7F800000> : vector<1024xf32>
        %reduce_min3A_81 = vector.multi_reduction <minimumf>, %add3A_80, %reduce_min3A [0] : vector<4096x1024xf32> to vector<1024xf32>
        %broadcast_in_dim3A_82 = vector.shape_cast %reduce_min3A_81 : vector<1024xf32> to vector<1x1024xf32>
        %eq3A_83 = vector.broadcast %broadcast_in_dim3A_82 : vector<1x1024xf32> to vector<4096x1024xf32>
        %eq3A_84 = arith.cmpf oeq, %add3A_80, %eq3A_83 : vector<4096x1024xf32>
        %jit3A = arith.constant 1073741824 : i32
        %broadcast_in_dim3A_85 = vector.broadcast %jit3A : i32 to vector<4096x1024xi32>
        %select_n3A_86 = arith.select %eq3A_84, %iota3A, %broadcast_in_dim3A_85 : vector<4096x1024xi1>, vector<4096x1024xi32>
        %reduce_min3A_87 = arith.constant dense<2147483647> : vector<1024xi32>
        %reduce_min3A_88 = vector.multi_reduction <minsi>, %select_n3A_86, %reduce_min3A_87 [0] : vector<4096x1024xi32> to vector<1024xi32>
        %broadcast_in_dim3A_89 = vector.shape_cast %reduce_min3A_88 : vector<1024xi32> to vector<1x1024xi32>
        %mul3A_90 = arith.constant 4096 : i32
        %mul3A_91 = arith.muli %while3A_63, %mul3A_90 : i32
        %add3A_92 = vector.broadcast %mul3A_91 : i32 to vector<1x1024xi32>
        %add3A_93 = arith.addi %broadcast_in_dim3A_89, %add3A_92 : vector<1x1024xi32>
        %lt3A_94 = arith.cmpf olt, %broadcast_in_dim3A_82, %while3A_64 : vector<1x1024xf32>
        %eq3A_95 = arith.cmpf oeq, %broadcast_in_dim3A_82, %while3A_64 : vector<1x1024xf32>
        %lt3A_96 = arith.cmpi slt, %add3A_93, %while3A_65 : vector<1x1024xi32>
        %and3A_97 = arith.andi %eq3A_95, %lt3A_96 : vector<1x1024xi1>
        %or3A = arith.ori %lt3A_94, %and3A_97 : vector<1x1024xi1>
        %select_n3A_98 = arith.select %or3A, %broadcast_in_dim3A_82, %while3A_64 : vector<1x1024xi1>, vector<1x1024xf32>
        %select_n3A_99 = arith.select %or3A, %add3A_93, %while3A_65 : vector<1x1024xi1>, vector<1x1024xi32>
        scf.yield %select_n3A_98, %select_n3A_99 : vector<1x1024xf32>, vector<1x1024xi32>
      }
      %lt3A = arith.cmpf olt, %while3A_59#0, %scan3A_39 : vector<1x1024xf32>
      %convert_element_type3A_60 = arith.truncf %while3A_59#0 : vector<1x1024xf32> to vector<1x1024xbf16>
      %convert_element_type3A_61 = arith.extf %convert_element_type3A_60 : vector<1x1024xbf16> to vector<1x1024xf32>
      %select_n3A = arith.select %lt3A, %convert_element_type3A_61, %scan3A_39 : vector<1x1024xi1>, vector<1x1024xf32>
      %select_n3A_62 = arith.select %lt3A, %while3A_59#1, %scan3A_40 : vector<1x1024xi1>, vector<1x1024xi32>
      scf.yield %select_n3A, %select_n3A_62 : vector<1x1024xf32>, vector<1x1024xi32>
    }
    %scan3A_26 = arith.constant 2 : i32
    %swap3A = arith.constant 0 : index
    %swap3A_27 = arith.constant 0 : index
    %swap3A_28 = arith.constant 0 : index
    %swap3A_29 = vector.load %arg6[%swap3A, %swap3A_27, %swap3A_28] : memref<1x32x1024xf32, #tpu.memory_space<vmem>>, vector<1x32x1024xf32>
    %swap3A_30 = vector.shape_cast %swap3A_29 : vector<1x32x1024xf32> to vector<32x1024xf32>
    %swap3A_31 = vector.shape_cast %add3A_15 : vector<32x1024xf32> to vector<1x32x1024xf32>
    tpu.vector_store %arg6[%swap3A, %swap3A_27, %swap3A_28], %swap3A_31 {strides = array<i32>} : memref<1x32x1024xf32, #tpu.memory_space<vmem>>, vector<1x32x1024xf32>,
    %swap3A_32 = arith.constant 0 : index
    %swap3A_33 = arith.constant 0 : index
    %swap3A_34 = arith.constant 0 : index
    %swap3A_35 = vector.load %arg7[%swap3A_32, %swap3A_33, %swap3A_34] : memref<1x1x1024xi32, #tpu.memory_space<vmem>>, vector<1x1x1024xi32>
    %swap3A_36 = vector.shape_cast %swap3A_35 : vector<1x1x1024xi32> to vector<1x1024xi32>
    %swap3A_37 = vector.shape_cast %scan3A_25#1 : vector<1x1024xi32> to vector<1x1x1024xi32>
    tpu.vector_store %arg7[%swap3A_32, %swap3A_33, %swap3A_34], %swap3A_37 {strides = array<i32>} : memref<1x1x1024xi32, #tpu.memory_space<vmem>>, vector<1x1x1024xi32>,
    return
  }
  func.func @transform_0(%arg0: i32, %arg1: i32) -> (i32, i32, i32) {
    %c0_i32 = arith.constant 0 : i32
    %c0_i32_0 = arith.constant 0 : i32
    return %arg0, %c0_i32, %arg1 : i32, i32, i32
  }
  func.func @transform_1(%arg0: i32, %arg1: i32) -> (i32, i32) {
    %c0_i32 = arith.constant 0 : i32
    %c0_i32_0 = arith.constant 0 : i32
    %c0_i32_1 = arith.constant 0 : i32
    return %c0_i32, %c0_i32_0 : i32, i32
  }
  func.func @transform_2(%arg0: i32, %arg1: i32) -> (i32, i32) {
    %c0_i32 = arith.constant 0 : i32
    %c0_i32_0 = arith.constant 0 : i32
    %c0_i32_1 = arith.constant 0 : i32
    return %c0_i32, %c0_i32_0 : i32, i32
  }
  func.func @transform_3(%arg0: i32, %arg1: i32) -> (i32, i32) {
    %c0_i32 = arith.constant 0 : i32
    %c0_i32_0 = arith.constant 0 : i32
    %c0_i32_1 = arith.constant 0 : i32
    return %c0_i32, %c0_i32_0 : i32, i32
  }
  func.func @transform_4(%arg0: i32, %arg1: i32) -> (i32, i32, i32) {
    %c0_i32 = arith.constant 0 : i32
    %c0_i32_0 = arith.constant 0 : i32
    return %arg0, %c0_i32, %arg1 : i32, i32, i32
  }
  func.func @transform_5(%arg0: i32, %arg1: i32) -> (i32, i32, i32) {
    %c0_i32 = arith.constant 0 : i32
    %c0_i32_0 = arith.constant 0 : i32
    return %arg0, %c0_i32, %arg1 : i32, i32, i32
  }
}

module attributes {stable_mosaic.version = 14 : i64} {
  func.func @_combine_body(%arg0: i32, %arg1: i32, %arg2: memref<1x32x1024xf32, #tpu.memory_space<vmem>>, %arg3: memref<1x32x1024xf32, #tpu.memory_space<vmem>>, %arg4: memref<1x32x1024xf32, #tpu.memory_space<vmem>>, %arg5: memref<1x1xf32, #tpu.memory_space<vmem>>, %arg6: memref<1xf32, #tpu.memory_space<smem>>) attributes {dimension_semantics = [#tpu.dimension_semantics<arbitrary>, #tpu.dimension_semantics<arbitrary>], iteration_bounds = array<i64: 16, 1>, scalar_prefetch = 0 : i64, scratch_operands = 1 : i64, tpu.core_type = #tpu.core_type<tc>, window_params = [{transform_indices = @transform_0, window_bounds = array<i64: 1, 32, 1024>}, {transform_indices = @transform_1, window_bounds = array<i64: 1, 32, 1024>}, {transform_indices = @transform_2, window_bounds = array<i64: 1, 32, 1024>}, {pipeline_mode = #tpu.pipeline_mode<synchronous>, transform_indices = @transform_3, window_bounds = array<i64: 1, 1>}]} {
    %get3A = arith.constant 0 : index
    %get3A_0 = arith.constant 0 : index
    %get3A_1 = arith.constant 0 : index
    %get3A_2 = vector.load %arg2[%get3A, %get3A_0, %get3A_1] : memref<1x32x1024xf32, #tpu.memory_space<vmem>>, vector<1x32x1024xf32>
    %get3A_3 = vector.shape_cast %get3A_2 : vector<1x32x1024xf32> to vector<32x1024xf32>
    %get3A_4 = arith.constant 0 : index
    %get3A_5 = arith.constant 0 : index
    %get3A_6 = arith.constant 0 : index
    %get3A_7 = vector.load %arg3[%get3A_4, %get3A_5, %get3A_6] : memref<1x32x1024xf32, #tpu.memory_space<vmem>>, vector<1x32x1024xf32>
    %get3A_8 = vector.shape_cast %get3A_7 : vector<1x32x1024xf32> to vector<32x1024xf32>
    %sub3A = arith.subf %get3A_8, %get3A_3 : vector<32x1024xf32>
    %add3A = arith.addf %get3A_3, %sub3A : vector<32x1024xf32>
    %swap3A = arith.constant 0 : index
    %swap3A_9 = arith.constant 0 : index
    %swap3A_10 = arith.constant 0 : index
    %swap3A_11 = vector.load %arg4[%swap3A, %swap3A_9, %swap3A_10] : memref<1x32x1024xf32, #tpu.memory_space<vmem>>, vector<1x32x1024xf32>
    %swap3A_12 = vector.shape_cast %swap3A_11 : vector<1x32x1024xf32> to vector<32x1024xf32>
    %swap3A_13 = vector.shape_cast %add3A : vector<32x1024xf32> to vector<1x32x1024xf32>
    tpu.vector_store %arg4[%swap3A, %swap3A_9, %swap3A_10], %swap3A_13 {strides = array<i32>} : memref<1x32x1024xf32, #tpu.memory_space<vmem>>, vector<1x32x1024xf32>,
    %mul3A = arith.mulf %sub3A, %sub3A : vector<32x1024xf32>
    %reduce_sum3A = vector.shape_cast %mul3A : vector<32x1024xf32> to vector<1x32x1024xf32>
    %reduce_sum3A_14 = arith.constant dense<0.000000e+00> : vector<1xf32>
    %reduce_sum3A_15 = vector.multi_reduction <add>, %reduce_sum3A, %reduce_sum3A_14 [1, 2] : vector<1x32x1024xf32> to vector<1xf32>
    %reduce_sum3A_16 = vector.shape_cast %reduce_sum3A_15 : vector<1xf32> to vector<1x1x1xf32>
    %reduce_sum3A_17 = vector.extract %reduce_sum3A_16[0, 0, 0] : f32 from vector<1x1x1xf32>
    %mul3A_18 = arith.constant 1 : i32
    %mul3A_19 = arith.muli %arg0, %mul3A_18 : i32
    %add3A_20 = arith.addi %mul3A_19, %arg1 : i32
    %eq3A = arith.constant 0 : i32
    %eq3A_21 = arith.cmpi eq, %add3A_20, %eq3A : i32
    %convert_element_type3A = arith.extui %eq3A_21 : i1 to i32
    %cond3A = arith.constant 0 : i32
    %cond3A_22 = arith.cmpi ne, %convert_element_type3A, %cond3A : i32
    scf.if %cond3A_22 {
      %swap3A_32 = arith.constant 0 : index
      %swap3A_33 = memref.load %arg6[%swap3A_32] : memref<1xf32, #tpu.memory_space<smem>>
      memref.store %reduce_sum3A_17, %arg6[%swap3A_32] : memref<1xf32, #tpu.memory_space<smem>>
    } else {
    }
    %ne3A = arith.constant 0 : i32
    %ne3A_23 = arith.cmpi ne, %add3A_20, %ne3A : i32
    %convert_element_type3A_24 = arith.extui %ne3A_23 : i1 to i32
    %cond3A_25 = arith.constant 0 : i32
    %cond3A_26 = arith.cmpi ne, %convert_element_type3A_24, %cond3A_25 : i32
    scf.if %cond3A_26 {
      %get3A_32 = arith.constant 0 : index
      %get3A_33 = memref.load %arg6[%get3A_32] : memref<1xf32, #tpu.memory_space<smem>>
      %add3A_34 = arith.addf %get3A_33, %reduce_sum3A_17 : f32
      %swap3A_35 = arith.constant 0 : index
      %swap3A_36 = memref.load %arg6[%swap3A_35] : memref<1xf32, #tpu.memory_space<smem>>
      memref.store %add3A_34, %arg6[%swap3A_35] : memref<1xf32, #tpu.memory_space<smem>>
    } else {
    }
    %eq3A_27 = arith.constant 15 : i32
    %eq3A_28 = arith.cmpi eq, %add3A_20, %eq3A_27 : i32
    %convert_element_type3A_29 = arith.extui %eq3A_28 : i1 to i32
    %cond3A_30 = arith.constant 0 : i32
    %cond3A_31 = arith.cmpi ne, %convert_element_type3A_29, %cond3A_30 : i32
    scf.if %cond3A_31 {
      %get3A_32 = arith.constant 0 : index
      %get3A_33 = memref.load %arg6[%get3A_32] : memref<1xf32, #tpu.memory_space<smem>>
      %div3A = arith.constant 5.242880e+05 : f32
      %div3A_34 = arith.divf %get3A_33, %div3A : f32
      %mul3A_35 = arith.constant 2.500000e-01 : f32
      %mul3A_36 = arith.mulf %mul3A_35, %div3A_34 : f32
      %add3A_37 = arith.addf %mul3A_36, %div3A_34 : f32
      %mul3A_38 = arith.constant 1.000000e+01 : f32
      %mul3A_39 = arith.mulf %add3A_37, %mul3A_38 : f32
      %broadcast_in_dim3A = vector.broadcast %mul3A_39 : f32 to vector<1x1xf32>
      %swap3A_40 = arith.constant 0 : index
      %swap3A_41 = arith.constant 0 : index
      %swap3A_42 = vector.load %arg5[%swap3A_40, %swap3A_41] : memref<1x1xf32, #tpu.memory_space<vmem>>, vector<1x1xf32>
      tpu.vector_store %arg5[%swap3A_40, %swap3A_41], %broadcast_in_dim3A {strides = array<i32>} : memref<1x1xf32, #tpu.memory_space<vmem>>, vector<1x1xf32>,
    } else {
    }
    return
  }
  func.func @transform_0(%arg0: i32, %arg1: i32) -> (i32, i32, i32) {
    %c0_i32 = arith.constant 0 : i32
    %c0_i32_0 = arith.constant 0 : i32
    return %arg0, %c0_i32, %arg1 : i32, i32, i32
  }
  func.func @transform_1(%arg0: i32, %arg1: i32) -> (i32, i32, i32) {
    %c0_i32 = arith.constant 0 : i32
    %c0_i32_0 = arith.constant 0 : i32
    return %arg0, %c0_i32, %arg1 : i32, i32, i32
  }
  func.func @transform_2(%arg0: i32, %arg1: i32) -> (i32, i32, i32) {
    %c0_i32 = arith.constant 0 : i32
    %c0_i32_0 = arith.constant 0 : i32
    return %arg0, %c0_i32, %arg1 : i32, i32, i32
  }
  func.func @transform_3(%arg0: i32, %arg1: i32) -> (i32, i32) {
    %c0_i32 = arith.constant 0 : i32
    %c0_i32_0 = arith.constant 0 : i32
    %c0_i32_1 = arith.constant 0 : i32
    return %c0_i32, %c0_i32_0 : i32, i32
  }
}

</mosaic_0001>

<sc_bundles>
// kernel: kernel.5.cloned.1.call-start
scs
__scs_entry_jumppad:
0x0: {  	(pc) =	sbr.rel $0x88, $3  }
0x1: {  	(tag) =	ssettag $0x0;
	lr =	simm.s32 $0x1  }
0x2: {  	[smem:$0x3F9D] =	sst lr;
	_ =	strace $0xD0000000  }
0x3: {  	_ = 	snop  }
0x4: {  	_ = 	snop  }
0x5: {  	_ = 	snop  }
0x6: {  	_ = 	snop  }
0x7: {  	_ = 	snop  }
__scs_overlays_trampoline_lowered:
0x8: {  	[smem:$0x3FAC] =	sst s0  }
0x9: {  	[smem:$0x3FAD] =	sst s1  }
0xa: {  	[smem:$0x3FAE] =	sst s2  }
0xb: {  	[smem:$0x3FAF] =	sst s3  }
0xc: {  	[smem:$0x3FB0] =	sst s4  }
0xd: {  	[smem:$0x3FB1] =	sst s5  }
0xe: {  	[smem:$0x3FB2] =	sst s6  }
0xf: {  	[smem:$0x3FB3] =	sst s7  }
0x10: {  	[smem:$0x3FB4] =	sst s8  }
0x11: {  	[smem:$0x3FB5] =	sst s9;
	s0 =	simm.s32 @!p0 $0x0  }
0x12: {  	s1 =	sld [smem:$0x3F9B];
	s0 =	simm.s32 @p0 $0x1  }
0x13: {  	[smem:$0x3FB6] =	sst s0;
	s0 =	simm.s32 @!p1 $0x0  }
0x14: {  	s2 =	sld [smem:$0x3F9A];
	s0 =	simm.s32 @p1 $0x1  }
0x15: {  	[smem:$0x3FB7] =	sst s0;
	s0 =	simm.s32 @!p2 $0x0  }
0x16: {  	s3 =	sld [smem:$0x3FDB];
	s0 =	simm.s32 @p2 $0x1  }
0x17: {  	s4 =	simm.s32 $0x1BF5;
	[smem:$0x3FB9] =	sst s0  }
0x18: {  	s0 =	sld [smem:$0x3F9C];
	_ =	swait.ge [sflag:s4], $0x0  }
0x19: {  	s7 =	sld [smem:$0x3F9D]  }
0x1a: {  	s8 =	sadd.s32 $0xFFFFE003, lr  }
0x1b: {  	s9 =	sadd.s32 $0xFFFFFEF7, lr;
	s5 =	simm.s32 $0xFFFFFFFF;
	p2 =	slt.u32 s8, $0xFFFFF086  }
0x1c: {  	p1 =	slt.u32 s9, $0xF7A;
	s5 =	simm.s32 @!p2 $0x0  }
0x1d: {  	s5 =	simm.s32 @p1 $0x1;
	p0 =	seq.s32 s7, s2  }
0x1e: {  	s7 =	smul.u32 @!p0 $0xF7A, s2;
	p2 =	seq.s32 @!p0 s5, $0x0  }
0x1f: {  	s9 =	smul.u32 $0xF7A, s1;
	s8 =	simm.s32 @!p0 $0x1BF5;
	p2 =	por !p2, p0  }
0x20: {  	[sflag:s8] =	ssyncset.s32 @!p0 $0xFFFFF086;
	s6 =	sadd.s32 @!p0 s3, s7;
	s7 =	simm.s32 @!p0 $0x108  }
0x21: {  	s3 =	sadd.s32 s3, s9;
	s6 =	sadd.s32 @!p0 $0x88, s6;
	s7 =	simm.s32 @p2 $0x1082  }
0x22: {  	[simem:s7], [sflag:s8] =	dma.local @!p0 [hbm:s6], $0xF7A  }
0x23: {  	s9 =	sor.u32 $0xD0000000, s2;
	s6 =	simm.s32 $0x108;
	_ =	swait.ge @!p0 [sflag:s8], $0x0  }
0x24: {  	s3 =	sadd.s32 $0x88, s3;
	s6 =	simm.s32 @!p1 $0x1082;
	[sflag:s4] =	ssyncset.s32 $0xFFFFF086  }
0x25: {  	[simem:s6], [sflag:s4] =	dma.local [hbm:s3], $0xF7A  }
0x26: {  	[smem:$0x3F9D] =	sst s1;
	(tag) =	ssettag s2;
	_ =	strace s9  }
0x27: {  	s1 =	sld [smem:$0x3FAD]  }
0x28: {  	s2 =	sld [smem:$0x3FAE]  }
0x29: {  	s4 =	sld [smem:$0x3FB0]  }
0x2a: {  	p0 =	seq.s32 s5, $0x0;
	s5 =	sld [smem:$0x3FB1]  }
0x2b: {  	s6 =	sld [smem:$0x3FB2]  }
0x2c: {  	s7 =	sld [smem:$0x3FB3]  }
0x2d: {  	s3 =	simm.s32 $0x108;
	s8 =	sld [smem:$0x3FB4]  }
0x2e: {  	s3 =	simm.s32 @!p0 $0x1082;
	s9 =	sld [smem:$0x3FB5]  }
0x2f: {  	lr =	sadd.s32 s0, s3;
	s0 =	sld [smem:$0x3FAC]  }
0x30: {  	s3 =	sld [smem:$0x3FAF]  }
0x31: {  	[smem:$0x3FB8] =	sst s10  }
0x32: {  	s10 =	sld [smem:$0x3FB6];
	_ =	sdelay $0x3  }
0x33: {  	p0 =	seq.s32 s10, $0x1;
	s10 =	sld [smem:$0x3FB8];
	_ =	sdelay $0x3  }
0x34: {  	[smem:$0x3FB8] =	sst s10  }
0x35: {  	s10 =	sld [smem:$0x3FB7];
	_ =	sdelay $0x3  }
0x36: {  	p1 =	seq.s32 s10, $0x1;
	s10 =	sld [smem:$0x3FB8];
	_ =	sdelay $0x3  }
0x37: {  	[smem:$0x3FB8] =	sst s10  }
0x38: {  	s10 =	sld [smem:$0x3FB9]  }
0x39: {  	_ = 	snop;
	(pc) =	sbr.ind lr, $3  }
0x3a: {  	_ = 	snop  }
0x3b: {  	_ = 	snop  }
0x3c: {  	p2 =	seq.s32 s10, $0x1;
	s10 =	sld [smem:$0x3FB8]  }
0x3d: {  	_ =	shalt  }
0x3e: {  	_ =	shalt  }
0x3f: {  	_ =	shalt  }
0x40: {  	_ =	shalt  }
0x41: {  	_ =	shalt  }
0x42: {  	_ =	shalt  }
0x43: {  	_ =	shalt  }
0x44: {  	_ =	shalt  }
0x45: {  	_ =	shalt  }
0x46: {  	_ =	shalt  }
0x47: {  	_ =	shalt  }
0x48: {  	_ =	shalt  }
0x49: {  	_ =	shalt  }
0x4a: {  	_ =	shalt  }
0x4b: {  	_ =	shalt  }
0x4c: {  	_ =	shalt  }
0x4d: {  	_ =	shalt  }
0x4e: {  	_ =	shalt  }
0x4f: {  	_ =	shalt  }
0x50: {  	_ =	shalt  }
0x51: {  	_ =	shalt  }
0x52: {  	_ =	shalt  }
0x53: {  	_ =	shalt  }
0x54: {  	_ =	shalt  }
0x55: {  	_ =	shalt  }
0x56: {  	_ =	shalt  }
0x57: {  	_ =	shalt  }
0x58: {  	_ =	shalt  }
0x59: {  	_ =	shalt  }
0x5a: {  	_ =	shalt  }
0x5b: {  	_ =	shalt  }
0x5c: {  	_ =	shalt  }
0x5d: {  	_ =	shalt  }
0x5e: {  	_ =	shalt  }
0x5f: {  	_ =	shalt  }
0x60: {  	_ =	shalt  }
0x61: {  	_ =	shalt  }
0x62: {  	_ =	shalt  }
0x63: {  	_ =	shalt  }
0x64: {  	_ =	shalt  }
0x65: {  	_ =	shalt  }
0x66: {  	_ =	shalt  }
0x67: {  	_ =	shalt  }
0x68: {  	_ =	shalt  }
0x69: {  	_ =	shalt  }
0x6a: {  	_ =	shalt  }
0x6b: {  	_ =	shalt  }
0x6c: {  	_ =	shalt  }
0x6d: {  	_ =	shalt  }
0x6e: {  	_ =	shalt  }
0x6f: {  	_ =	shalt  }
0x70: {  	_ =	shalt  }
0x71: {  	_ =	shalt  }
0x72: {  	_ =	shalt  }
0x73: {  	_ =	shalt  }
0x74: {  	_ =	shalt  }
0x75: {  	_ =	shalt  }
0x76: {  	_ =	shalt  }
0x77: {  	_ =	shalt  }
0x78: {  	_ =	shalt  }
0x79: {  	_ =	shalt  }
0x7a: {  	_ =	shalt  }
0x7b: {  	_ =	shalt  }
0x7c: {  	_ =	shalt  }
0x7d: {  	_ =	shalt  }
0x7e: {  	_ =	shalt  }
0x7f: {  	_ =	shalt  }
0x80: {  	_ =	shalt  }
0x81: {  	_ =	shalt  }
0x82: {  	_ =	shalt  }
0x83: {  	_ =	shalt  }
0x84: {  	_ =	shalt  }
0x85: {  	_ =	shalt  }
0x86: {  	_ =	shalt  }
0x87: {  	_ =	shalt  }
.Lfunc_end0:
.L_simem_size_0:
called_computation_lowered:
.L_overlay_start_0:
0x88: {  	s2 =	sld [smem:$0x3FD9]  }
0x89: {  	s3 =	sld [smem:$0x3FFE];
	_ =	sdelay $0x1  }
0x8a: {  	s1 =	srdreg.scid  }
0x8b: {  	s0 =	sand.u32 $0x1, s1  }
0x8c: {  	s14 =	sshll.u32 s0, $0xA;
	s2 =	sadd.s32 s3, s2  }
0x8d: {  	s2 =	sadd.s32 s2, s14  }
0x8e: {  	[smem:$0x3FC4] =	sst s2  }
0x8f: {  	_ = 	snop  }
0x90: {  	s2 =	sld [smem:$0x3FD0];
	_ =	sdelay $0x2  }
0x91: {  	s15 =	simm.s32 $0xA;
	s4 =	simm.s32 $0x10  }
0x92: {  	[smem:s4], [sflag:s15] =	dma.local [hbm:s2], $0x1  }
0x93: {  	_ =	swait.eq [sflag:s15], $0x1  }
0x94: {  	[sflag:s15] =	ssyncset.done $0x0  }
0x95: {  	[sflag:s15] =	ssyncadd.s32 $0xFFFFFFFF  }
0x96: {  	s16 =	sld [smem:$0x10];
	(tm) =	ssettm $0x1  }
0x97: {  	s17 =	sld [smem:$0x3FFB];
	_ =	sdelay $0x3  }
0x98: {  	_ =	strace s17  }
0x99: {  	s3 =	sld [smem:$0x3FFC];
	_ =	sdelay $0x3  }
0x9a: {  	_ =	strace s3  }
0x9b: {  	s3 =	sld [smem:$0x3FFD];
	_ =	sdelay $0x3  }
0x9c: {  	_ =	strace s3  }
0x9d: {  	_ =	strace $0x8FFFFFFF  }
0x9e: {  	s18 =	sld [smem:$0x3FDB];
	_ =	sdelay $0x1  }
0x9f: {  	s19 =	simm.s32 $_scs_section_size  }
0xa0: {  	s5 =	simm.s32 $_size__tile_overlayer_lowered;
	s6 =	simm.s32 $_tile_overlayer_lowered  }
0xa1: {  	s22 =	simm.s32 $0x1BFF;
	s21 =	sshll.u32 s6, $0x1;
	s3 =	sadd.s32 s19, s18  }
0xa2: {  	s7 =	simm.s32 $0x0;
	s20 =	sshll.u32 s5, $0x1;
	s5 =	sadd.s32 s21, s3  }
0xa3: {  	[timem:s7], [sflag:s22] =	dma.local [hbm:s5], s20  }
0xa4: {  	_ =	swait.ge [sflag:s22], s20  }
0xa5: {  	s4 =	ssub.s32 $0x0, s20;
	[sflag:s22] =	ssyncset.done $0x0  }
0xa6: {  	[sflag:s22] =	ssyncadd.s32 s4;
	_ =	sdelay $0x1  }
0xa7: {  	s23 =	simm.s32 $0x1B8B  }
0xa8: {  	_ =	swait.ge [sflag:s23], $0x1  }
0xa9: {  	[sflag:s23] =	ssyncset.done $0x0  }
0xaa: {  	s25 =	simm.s32 $0x1B8E;
	s24 =	sld [smem:$0x3FFE];
	[sflag:s23] =	ssyncadd.s32 $0xFFFFFFFF  }
0xab: {  	s26 =	simm.s32 $execute0_lowered;
	[smem:$0x3FD2] =	sst s25  }
0xac: {  	s5 =	sshll.u32 s26, $0x1;
	_ =	strace $0x80000046;
	[dreg:$0x1] =	wrdreg $0xFFFFFFFF  }
0xad: {  	s28 =	simm.s32 $_size_execute0_lowered;
	s3 =	sadd.s32 s3, s5;
	[dreg:$0x0] =	wrdreg $0x0  }
0xae: {  	s5 =	sshll.u32 s28, $0x1;
	[dreg:$0x2] =	wrdreg s3  }
0xaf: {  	[dreg:$0x3] =	wrdreg s5  }
0xb0: {  	[dreg:$0x4] =	wrdreg $0xC0  }
0xb1: {  	_ =	task [dreg:s7], $0x5FFFF  }
0xb2: {  	[dreg:$0x1] =	wrdreg $0xFFFFFFFF  }
0xb3: {  	[dreg:$0x0] =	wrdreg $0x60  }
0xb4: {  	[dreg:$0x2] =	wrdreg s24  }
0xb5: {  	[dreg:$0x3] =	wrdreg s16  }
0xb6: {  	[dreg:$0x4] =	wrdreg $0x9  }
0xb7: {  	_ =	task.clear_ibuf [dreg:s7], $0x5FFFF;
	_ =	strace $0x90000046  }
0xb8: {  	s29 =	simm.s32 $0x9;
	_ =	strace $0x80000048  }
0xb9: {  	_ =	swait.ge [sflag:s29], $0x1  }
0xba: {  	[sflag:s29] =	ssyncadd.s32 $0xFFFFFFFF  }
0xbb: {  	_ =	strace $0x90000048  }
0xbc: {  	_ =	sfence  }
0xbd: {  	s30 =	sld [smem:$0x0];
	_ =	sdelay $0x2  }
0xbe: {  	s31 =	sshll.u32 s1, $0xD;
	s1 =	sshrl.u32 s1, $0x2  }
0xbf: {  	s3 =	sand.u32 $0x4000, s31;
	s1 =	sadd.s32 s1, s30  }
0xc0: {  	s0 =	sor.u32 s3, s0;
	s1 =	sshll.u32 s1, $0x11  }
0xc1: {  	s0 =	sor.u32 s1, s0  }
0xc2: {  	s0 =	sadd.s32 $0x8F2B, s0  }
0xc3: {  	[sflag:s0] =	ssyncadd.remote.s32 $0x1  }
0xc4: {  	_ =	sfence.sel $0xFFFF  }
0xc5: {  	[dreg:$0x0] =	wrdreg $0xFFFFFFFF;
	(pc) =	sbr.abs _section_cstart, $3  }
0xc6: {  	[dreg:$0x1] =	wrdreg $0xFFFFFFFF  }
0xc7: {  	_ =	task.clear_ibuf [dreg:s7], $0x2FFFF;
	_ =	strace $0x9FFFFFFF  }
0xc8: {  	(tm) =	ssettm $0x7FFFFFFF  }
0xc9: {  	_ =	shalt  }
tec
execute0_lowered:
.L_overlay_start_1:
0x0: {  	(tag) =	ssettag $0x1  }
0x1: {  	s1 =	srdreg.scid  }
0x2: {  	s5 =	rddreg [dreg:$0x0];
	s0 =	stileid.u32;
	s15 =	sand.u32 $0x1, s1  }
0x3: {  	s14 =	rddreg [dreg:$0x1];
	s3 =	sshll.u32 s0, $0xA;
	s4 =	sshll.u32 s15, $0x9  }
0x4: {  	s2 =	simm.s32 $0x0;
	s1 =	rddreg [dreg:$0x2];
	s13 =	sor.u32 s4, s3  }
0x5: {  	[smem:$0x7FF] =	sst s2;
	s16 =	sadd.s32 $0x8C00, s5;
	s3 =	sshrl.u32 s13, $0x3  }
0x6: {  	_ =	strace $0x80000047;
	s4 =	sadd.s32 s16, s3;
	s3 =	simm.s32 $0x2  }
0x7: {  	[tilespmem:s2], [sflag:$0x2] =	stream.linear.gather [hbm4b:s4+s2], $0x80, $0x38;
	[tilespmem:$0x1080] =	vst v63  }
0x8: {  	_ =	swait.ge [sflag:s3], $0x80  }
0x9: {  	s6 =	simm.s32 $0x80;
	[sflag:s3] =	ssyncset.done $0x0  }
0xa: {  	s7 =	simm.s32 $0x1;
	s5 =	sadd.s32 $0xC00, s5;
	[sflag:s3] =	ssyncadd.s32 $0xFFFFFF80  }
0xb: {  	[tilespmem:s6], [sflag:$0x1] =	stream.indirect.gather [hbm4b:s5+s6], $0x20, s2, s6, $0xb8;
	[tilespmem:$0x1080] =	vst v63  }
0xc: {  	_ =	swait.ge [sflag:s7], $0x1000  }
0xd: {  	s8 =	sshll.u32 s13, $0x2;
	[sflag:s7] =	ssyncset.done $0x0  }
0xe: {  	s8 =	sadd.s32 s14, s8;
	[sflag:s7] =	ssyncadd.s32 $0xFFFFF000  }
0xf: {  	[hbm4b:s8+s2] =	stream.linear.scatter [tilespmem:s6], [sflag:$0x2], $0x1000, $0x38;
	[tilespmem:$0x1080] =	vst v63  }
0x10: {  	s10 =	sor.u32 $0x80, s13;
	_ =	swait.ge [sflag:s3], $0x1000  }
0x11: {  	s9 =	sshrl.u32 s10, $0x3;
	[sflag:s3] =	ssyncset.done $0x0  }
0x12: {  	s9 =	sadd.s32 s16, s9;
	[sflag:s3] =	ssyncadd.s32 $0xFFFFF000  }
0x13: {  	[tilespmem:s2], [sflag:$0x2] =	stream.linear.gather [hbm4b:s9+s2], $0x80, $0x38;
	[tilespmem:$0x1080] =	vst v63  }
0x14: {  	_ =	swait.ge [sflag:s3], $0x80  }
0x15: {  	[sflag:s3] =	ssyncset.done $0x0  }
0x16: {  	[sflag:s3] =	ssyncadd.s32 $0xFFFFFF80  }
0x17: {  	[tilespmem:s6], [sflag:$0x1] =	stream.indirect.gather [hbm4b:s5+s6], $0x20, s2, s6, $0xb8;
	[tilespmem:$0x1080] =	vst v63  }
0x18: {  	_ =	swait.ge [sflag:s7], $0x1000  }
0x19: {  	s10 =	sshll.u32 s10, $0x2;
	[sflag:s7] =	ssyncset.done $0x0  }
0x1a: {  	s10 =	sadd.s32 s14, s10;
	[sflag:s7] =	ssyncadd.s32 $0xFFFFF000  }
0x1b: {  	[hbm4b:s10+s2] =	stream.linear.scatter [tilespmem:s6], [sflag:$0x2], $0x1000, $0x38;
	[tilespmem:$0x1080] =	vst v63  }
0x1c: {  	s12 =	sor.u32 $0x100, s13;
	_ =	swait.ge [sflag:s3], $0x1000  }
0x1d: {  	s11 =	sshrl.u32 s12, $0x3;
	[sflag:s3] =	ssyncset.done $0x0  }
0x1e: {  	s11 =	sadd.s32 s16, s11;
	[sflag:s3] =	ssyncadd.s32 $0xFFFFF000  }
0x1f: {  	[tilespmem:s2], [sflag:$0x2] =	stream.linear.gather [hbm4b:s11+s2], $0x80, $0x38;
	[tilespmem:$0x1080] =	vst v63  }
0x20: {  	_ =	swait.ge [sflag:s3], $0x80  }
0x21: {  	[sflag:s3] =	ssyncset.done $0x0  }
0x22: {  	[sflag:s3] =	ssyncadd.s32 $0xFFFFFF80  }
0x23: {  	[tilespmem:s6], [sflag:$0x1] =	stream.indirect.gather [hbm4b:s5+s6], $0x20, s2, s6, $0xb8;
	[tilespmem:$0x1080] =	vst v63  }
0x24: {  	_ =	swait.ge [sflag:s7], $0x1000  }
0x25: {  	s12 =	sshll.u32 s12, $0x2;
	[sflag:s7] =	ssyncset.done $0x0  }
0x26: {  	s12 =	sadd.s32 s14, s12;
	[sflag:s7] =	ssyncadd.s32 $0xFFFFF000  }
0x27: {  	[hbm4b:s12+s2] =	stream.linear.scatter [tilespmem:s6], [sflag:$0x2], $0x1000, $0x38;
	[tilespmem:$0x1080] =	vst v63  }
0x28: {  	s17 =	sor.u32 $0x180, s13;
	_ =	swait.ge [sflag:s3], $0x1000  }
0x29: {  	s13 =	sshrl.u32 s17, $0x3;
	[sflag:s3] =	ssyncset.done $0x0  }
0x2a: {  	s15 =	ssub.s32 $0x2, s15;
	s13 =	sadd.s32 s16, s13;
	[sflag:s3] =	ssyncadd.s32 $0xFFFFF000  }
0x2b: {  	[tilespmem:s2], [sflag:$0x2] =	stream.linear.gather [hbm4b:s13+s2], $0x80, $0x38;
	[tilespmem:$0x1080] =	vst v63  }
0x2c: {  	s30 =	sshrl.u32 s15, $0x1;
	_ =	swait.ge [sflag:s3], $0x80  }
0x2d: {  	s15 =	ssub.s32 s15, s30;
	[sflag:s3] =	ssyncset.done $0x0  }
0x2e: {  	s15 =	smax.u32 s15, $0x1;
	[sflag:s3] =	ssyncadd.s32 $0xFFFFFF80  }
0x2f: {  	[tilespmem:s6], [sflag:$0x1] =	stream.indirect.gather [hbm4b:s5+s6], $0x20, s2, s6, $0xb8;
	[tilespmem:$0x1080] =	vst v63  }
0x30: {  	p0 =	sne.s32 s15, $0x1;
	_ =	swait.ge [sflag:s7], $0x1000  }
.Ltmp0:
0x31: {  	s31 =	sshll.u32 s17, $0x2;
	[sflag:s7] =	ssyncset.done $0x0;
	(pc) =	sbr.rel @!p0 .LBB2_2-.Ltmp0, $4  }
0x32: {  	s14 =	sadd.s32 s14, s31;
	[sflag:s7] =	ssyncadd.s32 $0xFFFFF000  }
0x33: {  	[hbm4b:s14+s2] =	stream.linear.scatter [tilespmem:s6], [sflag:$0x2], $0x1000, $0x38;
	[tilespmem:$0x1080] =	vst v63  }
0x34: {  	_ =	swait.ge [sflag:s3], $0x1000  }
0x35: {  	s15 =	sadd.s32 $0xFFFFFFFF, s15;
	[sflag:s3] =	ssyncset.done $0x0  }
.LBB2_1:
0x36: {  	p0 =	sne.s32 s15, $0x1;
	s15 =	sadd.s32 $0xFFFFFFFF, s15;
	[sflag:s3] =	ssyncadd.s32 $0xFFFFF000  }
0x37: {  	[tilespmem:s2], [sflag:$0x2] =	stream.linear.gather [hbm4b:s4+s2], $0x80, $0x38;
	[tilespmem:$0x1080] =	vst v63  }
0x38: {  	_ =	swait.ge [sflag:s3], $0x80  }
0x39: {  	[sflag:s3] =	ssyncset.done $0x0  }
0x3a: {  	[sflag:s3] =	ssyncadd.s32 $0xFFFFFF80  }
0x3b: {  	[tilespmem:s6], [sflag:$0x1] =	stream.indirect.gather [hbm4b:s5+s6], $0x20, s2, s6, $0xb8;
	[tilespmem:$0x1080] =	vst v63  }
0x3c: {  	_ =	swait.ge [sflag:s7], $0x1000  }
0x3d: {  	[sflag:s7] =	ssyncset.done $0x0  }
0x3e: {  	[sflag:s7] =	ssyncadd.s32 $0xFFFFF000  }
0x3f: {  	[hbm4b:s8+s2] =	stream.linear.scatter [tilespmem:s6], [sflag:$0x2], $0x1000, $0x38;
	[tilespmem:$0x1080] =	vst v63  }
0x40: {  	_ =	swait.ge [sflag:s3], $0x1000  }
0x41: {  	[sflag:s3] =	ssyncset.done $0x0  }
0x42: {  	[sflag:s3] =	ssyncadd.s32 $0xFFFFF000  }
0x43: {  	[tilespmem:s2], [sflag:$0x2] =	stream.linear.gather [hbm4b:s9+s2], $0x80, $0x38;
	[tilespmem:$0x1080] =	vst v63  }
0x44: {  	_ =	swait.ge [sflag:s3], $0x80  }
0x45: {  	[sflag:s3] =	ssyncset.done $0x0  }
0x46: {  	[sflag:s3] =	ssyncadd.s32 $0xFFFFFF80  }
0x47: {  	[tilespmem:s6], [sflag:$0x1] =	stream.indirect.gather [hbm4b:s5+s6], $0x20, s2, s6, $0xb8;
	[tilespmem:$0x1080] =	vst v63  }
0x48: {  	_ =	swait.ge [sflag:s7], $0x1000  }
0x49: {  	[sflag:s7] =	ssyncset.done $0x0  }
0x4a: {  	[sflag:s7] =	ssyncadd.s32 $0xFFFFF000  }
0x4b: {  	[hbm4b:s10+s2] =	stream.linear.scatter [tilespmem:s6], [sflag:$0x2], $0x1000, $0x38;
	[tilespmem:$0x1080] =	vst v63  }
0x4c: {  	_ =	swait.ge [sflag:s3], $0x1000  }
0x4d: {  	[sflag:s3] =	ssyncset.done $0x0  }
0x4e: {  	[sflag:s3] =	ssyncadd.s32 $0xFFFFF000  }
0x4f: {  	[tilespmem:s2], [sflag:$0x2] =	stream.linear.gather [hbm4b:s11+s2], $0x80, $0x38;
	[tilespmem:$0x1080] =	vst v63  }
0x50: {  	_ =	swait.ge [sflag:s3], $0x80  }
0x51: {  	[sflag:s3] =	ssyncset.done $0x0  }
0x52: {  	[sflag:s3] =	ssyncadd.s32 $0xFFFFFF80  }
0x53: {  	[tilespmem:s6], [sflag:$0x1] =	stream.indirect.gather [hbm4b:s5+s6], $0x20, s2, s6, $0xb8;
	[tilespmem:$0x1080] =	vst v63  }
0x54: {  	_ =	swait.ge [sflag:s7], $0x1000  }
0x55: {  	[sflag:s7] =	ssyncset.done $0x0  }
0x56: {  	[sflag:s7] =	ssyncadd.s32 $0xFFFFF000  }
0x57: {  	[hbm4b:s12+s2] =	stream.linear.scatter [tilespmem:s6], [sflag:$0x2], $0x1000, $0x38;
	[tilespmem:$0x1080] =	vst v63  }
0x58: {  	_ =	swait.ge [sflag:s3], $0x1000  }
0x59: {  	[sflag:s3] =	ssyncset.done $0x0  }
0x5a: {  	[sflag:s3] =	ssyncadd.s32 $0xFFFFF000  }
0x5b: {  	[tilespmem:s2], [sflag:$0x2] =	stream.linear.gather [hbm4b:s13+s2], $0x80, $0x38;
	[tilespmem:$0x1080] =	vst v63  }
0x5c: {  	_ =	swait.ge [sflag:s3], $0x80  }
0x5d: {  	[sflag:s3] =	ssyncset.done $0x0  }
0x5e: {  	[sflag:s3] =	ssyncadd.s32 $0xFFFFFF80  }
0x5f: {  	[tilespmem:s6], [sflag:$0x1] =	stream.indirect.gather [hbm4b:s5+s6], $0x20, s2, s6, $0xb8;
	[tilespmem:$0x1080] =	vst v63  }
0x60: {  	_ =	swait.ge [sflag:s7], $0x1000  }
.Ltmp1:
0x61: {  	[sflag:s7] =	ssyncset.done $0x0;
	(pc) =	sbr.rel @p0 .LBB2_1-.Ltmp1, $4  }
0x62: {  	[sflag:s7] =	ssyncadd.s32 $0xFFFFF000  }
0x63: {  	[hbm4b:s14+s2] =	stream.linear.scatter [tilespmem:s6], [sflag:$0x2], $0x1000, $0x38;
	[tilespmem:$0x1080] =	vst v63  }
0x64: {  	_ =	swait.ge [sflag:s3], $0x1000  }
0x65: {  	[sflag:s3] =	ssyncset.done $0x0  }
.LBB2_2:
0x66: {  	[sflag:s3] =	ssyncadd.s32 $0xFFFFF000  }
0x67: {  	_ =	sfence.sel $0x180000  }
0x68: {  	[bflag:$0x0] =	sbarrier.arrive $0xFFFF  }
0x69: {  	p0 =	sne.s32 s0, $0x0;
	_ =	strace $0x90000047  }
0x6a: {  	s0 =	sadd.s32 @!p0 $0x100000, s1;
	[bflag:$0x2] =	sbarrier.arrive $0xFFFF  }
0x6b: {  	[sflag:s0] =	ssyncadd.tile.s32 @!p0 $0x1;
	_ =	shalt  }
.Lfunc_end2:
_tile_overlayer_lowered:
.L_overlay_start_2:
0x6c: {  	(tag) =	ssettag $0x2  }
0x6d: {  	s0 =	rddreg [dreg:$0x0];
	s2 =	stileid.u32  }
0x6e: {  	s1 =	rddreg [dreg:$0x1];
	p0 =	sne.s32 s2, $0x0  }
0x6f: {  	s3 =	rddreg [dreg:$0x2];
	[bflag:$0x3] =	sbarrier.arrive $0xFFFF;
	s2 =	simm.s32 @!p0 $0x1C02  }
0x70: {  	[timem:s3], [sflag:s2] =	dma.local @!p0 [hbm:s0], s1  }
0x71: {  	s0 =	simm.s32 @!p0 $0x2  }
0x72: {  	_ =	swait.ge @!p0 [sflag:s0], s1  }
0x73: {  	s1 =	ssub.s32 @!p0 $0x0, s1;
	[sflag:s0] =	ssyncset.done @!p0 $0x0  }
0x74: {  	[sflag:s0] =	ssyncadd.s32 @!p0 s1  }
0x75: {  	[bflag:$0x3] =	sbarrier.arrive $0xFFFF  }
0x76: {  	_ =	shalt  }

</sc_bundles>
